<compile_context>
chip_gen: v7x
topology: tpu7x:2x2x1
jax: 0.10.2.dev20260603
libtpu: 0.0.44.dev20260713+nightly
codegen_flags: <defaults>
</compile_context>

<pallas_src>
import functools

import jax
import jax.numpy as jnp
from jax import lax
from jax.experimental import pallas as pl
from jax.experimental.pallas import tpu as pltpu
from jax.experimental.pallas import tpu_sc as plsc

NC = 2
NS = 16
NW = NC * NS
CHUNK = 80


def _sc_aggregate(xaug, src, dst, zinit, n_pad, da):
    e = src.shape[0]
    epw = e // NW
    nchunk = epw // CHUNK
    rows_per_tile = n_pad // NS

    mesh = plsc.VectorSubcoreMesh(core_axis_name="c", subcore_axis_name="s")

    @functools.partial(
        pl.kernel,
        out_type=jax.ShapeDtypeStruct((NC, n_pad, da), jnp.float32),
        mesh=mesh,
        scratch_types=[
            pltpu.VMEM((CHUNK,), jnp.int32),
            pltpu.VMEM((2, CHUNK), jnp.int32),
            pltpu.VMEM((2, CHUNK, da), jnp.float32),
            pltpu.VMEM_SHARED((n_pad, da), jnp.float32),
            pltpu.SemaphoreType.DMA,
            pltpu.SemaphoreType.DMA((2,)),
        ],
        compiler_params=pltpu.CompilerParams(use_tc_tiling_on_sc=False),
    )
    def agg(xaug_hbm, src_hbm, dst_hbm, zero_hbm, out_hbm,
            sidx_v, didx_v, rows_v, acc_sh, sem, ssem):
        cid = lax.axis_index("c")
        sid = lax.axis_index("s")
        wid = sid * NC + cid
        base = wid * epw
        t0 = sid * rows_per_tile

        pltpu.sync_copy(zero_hbm.at[pl.ds(t0, rows_per_tile)],
                        acc_sh.at[pl.ds(t0, rows_per_tile)])
        plsc.subcore_barrier()

        def wait_scatter(b):
            pltpu.make_async_copy(rows_v.at[b], acc_sh.at[didx_v.at[0]],
                                  ssem.at[b]).wait()

        def body(g, carry):
            for b in range(2):
                j = g * 2 + b

                @pl.when(j < nchunk)
                def _():
                    @pl.when(j >= 2)
                    def _():
                        wait_scatter(b)

                    off = base + j * CHUNK
                    pltpu.sync_copy(src_hbm.at[pl.ds(off, CHUNK)], sidx_v)
                    pltpu.sync_copy(dst_hbm.at[pl.ds(off, CHUNK)],
                                    didx_v.at[b])
                    pltpu.async_copy(xaug_hbm.at[sidx_v], rows_v.at[b],
                                     sem).wait()
                    pltpu.async_copy(rows_v.at[b], acc_sh.at[didx_v.at[b]],
                                     ssem.at[b], add=True)
            return carry

        lax.fori_loop(0, (nchunk + 1) // 2, body, 0)
        wait_scatter(0)
        wait_scatter(1)
        plsc.subcore_barrier()

        pltpu.sync_copy(acc_sh.at[pl.ds(t0, rows_per_tile)],
                        out_hbm.at[cid, pl.ds(t0, rows_per_tile)])

    return agg(xaug, src, dst, zinit)


def _tc_finish_body(p_ref, x_ref, wl_ref, b_ref, wr_ref, o_ref, *, d):
    p = p_ref[...]
    summed = p[0, :, :d] + p[1, :, :d]
    cnt = p[0, :, d] + p[1, :, d]
    mean = summed / jnp.maximum(cnt, 1.0)[:, None]
    o_ref[...] = (
        jnp.dot(mean, wl_ref[...], preferred_element_type=jnp.float32)
        + b_ref[...]
        + jnp.dot(x_ref[...], wr_ref[...], preferred_element_type=jnp.float32)
    )


def kernel(x, edge_index, W_l, b_l, W_r):
    n, d = x.shape
    h = W_l.shape[1]
    e = edge_index.shape[1]
    da = ((d + 1 + 15) // 16) * 16
    n_pad = ((n + 8 * NW - 1) // (8 * NW)) * (8 * NW)
    assert e % (NW * CHUNK) == 0

    xaug = jnp.pad(
        jnp.concatenate([x, jnp.ones((n, 1), x.dtype)], axis=1),
        ((0, n_pad - n), (0, da - d - 1)),
    )
    src = edge_index[0]
    dst = edge_index[1]
    zinit = jnp.zeros((n_pad, da), jnp.float32)

    partial = _sc_aggregate(xaug, src, dst, zinit, n_pad, da)

    blk = 1000
    grid = (n // blk,)
    out = pl.pallas_call(
        functools.partial(_tc_finish_body, d=d),
        grid=grid,
        in_specs=[
            pl.BlockSpec((NC, blk, da), lambda i: (0, i, 0)),
            pl.BlockSpec((blk, d), lambda i: (i, 0)),
            pl.BlockSpec((d, h), lambda i: (0, 0)),
            pl.BlockSpec((1, h), lambda i: (0, 0)),
            pl.BlockSpec((d, h), lambda i: (0, 0)),
        ],
        out_specs=pl.BlockSpec((blk, h), lambda i: (i, 0)),
        out_shape=jax.ShapeDtypeStruct((n, h), jnp.float32),
    )(partial, x, W_l, b_l.reshape(1, h), W_r)
    return out

# --- scband reference (transcript-rebuilt; emitter-appended) ---
"""Pipeline reference for scband-indi-sage-pr-1623497638161 (READ-ONLY COPY).

The authoritative reference and input builder live on the scoring server;
editing this copy changes nothing except your own understanding.
"""

import jax, jax.numpy as jnp
import numpy as np

N = 10000
E = 320000
D = 128
H = 128


def setup_inputs(seed: int = 0) -> dict:
    key = jax.random.key(seed)
    k1, k2, k3, k4 = jax.random.split(key, 4)
    x = jax.random.normal(k1, (N, D), dtype=jnp.float32)
    edge_index = jax.random.randint(k2, (2, E), 0, N, dtype=jnp.int32)
    W_l = jax.random.normal(k3, (D, H), dtype=jnp.float32) * (1.0 / np.sqrt(D))
    b_l = jnp.zeros((H,), dtype=jnp.float32)
    W_r = jax.random.normal(k4, (D, H), dtype=jnp.float32) * (1.0 / np.sqrt(D))
    return {"x": x, "edge_index": edge_index, "W_l": W_l, "b_l": b_l, "W_r": W_r}


def reference(x, edge_index, W_l, b_l, W_r):
    # indi_SAGE_PR with num_layers=2 builds a single SAGEConv(in, hidden);
    # forward applies only convs[-1] (no relu/dropout on the final layer).
    # SAGEConv (PyG semantics): out = lin_l(mean_{j in N(i)} x_j) + lin_r(x_i)
    src = edge_index[0]
    dst = edge_index[1]
    msgs = jnp.take(x, src, axis=0)                       # gather  [E, D]
    summed = jax.ops.segment_sum(msgs, dst, num_segments=N)
    counts = jax.ops.segment_sum(jnp.ones((E,), dtype=x.dtype), dst, num_segments=N)
    mean = summed / jnp.clip(counts, 1.0)[:, None]
    out = mean @ W_l + b_l + x @ W_r
    return out

if __name__ == "__main__":
    import jax
    _d = setup_inputs()
    print(jax.jit(kernel)(*tuple(_d.values())))

</pallas_src>

<mosaic_0001>
#map = affine_map<(d0, d1) -> (0, 0)>
#map1 = affine_map<(d0, d1) -> (0)>
#map2 = affine_map<(d0, d1) -> (0, 0, 0)>
module attributes {stable_mosaic.version = 14 : i64} {
  func.func @agg(%arg0: i32, %arg1: i32, %arg2: memref<10240x144xf32, #tpu.memory_space<hbm>>, %arg3: memref<320000xi32, #tpu.memory_space<hbm>>, %arg4: memref<320000xi32, #tpu.memory_space<hbm>>, %arg5: memref<10240x144xf32, #tpu.memory_space<hbm>>, %arg6: memref<2x10240x144xf32, #tpu.memory_space<hbm>>, %arg7: memref<80xi32, #tpu.memory_space<vmem>>, %arg8: memref<2x80xi32, #tpu.memory_space<vmem>>, %arg9: memref<2x80x144xf32, #tpu.memory_space<vmem>>, %arg10: memref<10240x144xf32, #tpu.memory_space<vmem_shared>>, %arg11: memref<!tpu.dma_semaphore, #tpu.memory_space<semaphore_mem>>, %arg12: memref<2x!tpu.dma_semaphore, #tpu.memory_space<semaphore_mem>>) attributes {dimension_semantics = [#tpu.dimension_semantics<core_parallel>, #tpu.dimension_semantics<subcore_parallel>], iteration_bounds = array<i64: 2, 16>, scalar_prefetch = 0 : i64, scratch_operands = 6 : i64, tpu.core_type = #tpu.core_type<sc_vector_subcore>, window_params = [{transform_indices = #map}, {transform_indices = #map1}, {transform_indices = #map1}, {transform_indices = #map}, {transform_indices = #map2}]} {
    %mul3A = arith.constant 2 : i32
    %mul3A_0 = arith.muli %arg1, %mul3A : i32
    %add3A = arith.addi %mul3A_0, %arg0 : i32
    %mul3A_1 = arith.constant 10000 : i32
    %mul3A_2 = arith.muli %add3A, %mul3A_1 : i32
    %mul3A_3 = arith.constant 640 : i32
    %mul3A_4 = arith.muli %arg1, %mul3A_3 : i32
    "tpu.region"() ({
      %run_scoped3A = tpu.sem_alloc : memref<!tpu.dma_semaphore, #tpu.memory_space<semaphore_mem>>
      %dma_start3A = arith.constant 0 : i32
      %dma_start3A_40 = tpu.memref_slice %arg10[%mul3A_4, %dma_start3A] : memref<10240x144xf32, #tpu.memory_space<vmem_shared>> -> memref<640x144xf32, #tpu.memory_space<vmem_shared>>
      %dma_start3A_41 = arith.constant 0 : i32
      %dma_start3A_42 = tpu.memref_slice %arg5[%mul3A_4, %dma_start3A_41] : memref<10240x144xf32, #tpu.memory_space<hbm>> -> memref<640x144xf32, #tpu.memory_space<hbm>>
      tpu.enqueue_dma source(%dma_start3A_42 : memref<640x144xf32, #tpu.memory_space<hbm>>) target(%dma_start3A_40 : memref<640x144xf32, #tpu.memory_space<vmem_shared>>) target_semaphore(%run_scoped3A : memref<!tpu.dma_semaphore, #tpu.memory_space<semaphore_mem>>)
      %dma_wait3A_43 = arith.constant 0 : i32
      %dma_wait3A_44 = tpu.memref_slice %arg10[%mul3A_4, %dma_wait3A_43] : memref<10240x144xf32, #tpu.memory_space<vmem_shared>> -> memref<640x144xf32, #tpu.memory_space<vmem_shared>>
      %dma_wait3A_45 = arith.constant 0 : i32
      %dma_wait3A_46 = tpu.memref_slice %arg5[%mul3A_4, %dma_wait3A_45] : memref<10240x144xf32, #tpu.memory_space<hbm>> -> memref<640x144xf32, #tpu.memory_space<hbm>>
      tpu.wait_dma2 semaphore(%run_scoped3A : memref<!tpu.dma_semaphore, #tpu.memory_space<semaphore_mem>>) src(%dma_wait3A_46 : memref<640x144xf32, #tpu.memory_space<hbm>>) dst(%dma_wait3A_44 : memref<640x144xf32, #tpu.memory_space<vmem_shared>>)
      tpu.yield
    }) : () -> ()
    %barrier3A = arith.constant 0 : index
    tpu.barrier barrier_id(%barrier3A)
    %scan3A = arith.constant 0 : i32
    %scan3A_5 = arith.constant 0 : i32
    %scan3A_6 = arith.constant 63 : i32
    %scan3A_7 = arith.addi %scan3A_5, %scan3A_6 : i32
    %scan3A_8 = arith.constant 1 : i32
    scf.for %scan3A_40 = %scan3A_5 to %scan3A_7 step %scan3A_8  : i32 {
      %mul3A_41 = arith.constant 2 : i32
      %mul3A_42 = arith.muli %scan3A_40, %mul3A_41 : i32
      %add3A_43 = arith.constant 0 : i32
      %add3A_44 = arith.addi %mul3A_42, %add3A_43 : i32
      %lt3A = arith.constant 125 : i32
      %lt3A_45 = arith.cmpi slt, %add3A_44, %lt3A : i32
      %convert_element_type3A = arith.extui %lt3A_45 : i1 to i32
      %cond3A = arith.constant 0 : i32
      %cond3A_46 = arith.cmpi ne, %convert_element_type3A, %cond3A : i32
      scf.if %cond3A_46 {
        %ge3A = arith.constant 2 : i32
        %ge3A_56 = arith.cmpi sge, %add3A_44, %ge3A : i32
        %convert_element_type3A_57 = arith.extui %ge3A_56 : i1 to i32
        %cond3A_58 = arith.constant 0 : i32
        %cond3A_59 = arith.cmpi ne, %convert_element_type3A_57, %cond3A_58 : i32
        scf.if %cond3A_59 {
          %dma_wait3A_93 = arith.constant 0 : i32
          %dma_wait3A_94 = arith.constant 0 : i32
          %dma_wait3A_95 = arith.constant 0 : i32
          %dma_wait3A_96 = arith.constant 0 : i32
          %dma_wait3A_97 = arith.constant 0 : i32
          %dma_wait3A_98 = tpu.memref_slice %arg9[%dma_wait3A_93, %dma_wait3A_96, %dma_wait3A_97] : memref<2x80x144xf32, #tpu.memory_space<vmem>> -> memref<1x80x144xf32, #tpu.memory_space<vmem>>
          %dma_wait3A_99 = tpu.memref_squeeze %dma_wait3A_98 : memref<1x80x144xf32, #tpu.memory_space<vmem>> -> memref<80x144xf32, #tpu.memory_space<vmem>>
          %dma_wait3A_100 = arith.constant 0 : i32
          %dma_wait3A_101 = tpu.memref_slice %arg8[%dma_wait3A_94, %dma_wait3A_100] : memref<2x80xi32, #tpu.memory_space<vmem>> -> memref<1x80xi32, #tpu.memory_space<vmem>>
          %dma_wait3A_102 = tpu.memref_squeeze %dma_wait3A_101 : memref<1x80xi32, #tpu.memory_space<vmem>> -> memref<80xi32, #tpu.memory_space<vmem>>
          %dma_wait3A_103 = arith.constant 0 : i32
          %dma_wait3A_104 = arith.constant 0 : i32
          %dma_wait3A_105 = tpu.memref_slice %arg10[%dma_wait3A_103, %dma_wait3A_104] : memref<10240x144xf32, #tpu.memory_space<vmem_shared>> -> memref<10240x144xf32, #tpu.memory_space<vmem_shared>>
          %dma_wait3A_106 = tpu.memref_slice %arg12[%dma_wait3A_95] : memref<2x!tpu.dma_semaphore, #tpu.memory_space<semaphore_mem>> -> memref<1x!tpu.dma_semaphore, #tpu.memory_space<semaphore_mem>>
          %dma_wait3A_107 = tpu.memref_squeeze %dma_wait3A_106 : memref<1x!tpu.dma_semaphore, #tpu.memory_space<semaphore_mem>> -> memref<!tpu.dma_semaphore, #tpu.memory_space<semaphore_mem>>
          tpu.wait_indirect_dma semaphore(%dma_wait3A_107 : memref<!tpu.dma_semaphore, #tpu.memory_space<semaphore_mem>>) src(%dma_wait3A_99 : memref<80x144xf32, #tpu.memory_space<vmem>>) dst(%dma_wait3A_105 : memref<10240x144xf32, #tpu.memory_space<vmem_shared>>)
        } else {
        }
        %mul3A_60 = arith.constant 80 : i32
        %mul3A_61 = arith.muli %add3A_44, %mul3A_60 : i32
        %add3A_62 = arith.addi %mul3A_2, %mul3A_61 : i32
        "tpu.region"() ({
          %run_scoped3A_93 = tpu.sem_alloc : memref<!tpu.dma_semaphore, #tpu.memory_space<semaphore_mem>>
          %dma_start3A_94 = tpu.memref_slice %arg3[%add3A_62] : memref<320000xi32, #tpu.memory_space<hbm>> -> memref<80xi32, #tpu.memory_space<hbm>>
          %dma_start3A_95 = tpu.memref_slice %arg3[%add3A_62] : memref<320000xi32, #tpu.memory_space<hbm>> -> memref<80xi32, #tpu.memory_space<hbm>>
          tpu.enqueue_dma source(%dma_start3A_95 : memref<80xi32, #tpu.memory_space<hbm>>) target(%arg7 : memref<80xi32, #tpu.memory_space<vmem>>) target_semaphore(%run_scoped3A_93 : memref<!tpu.dma_semaphore, #tpu.memory_space<semaphore_mem>>)
          %dma_wait3A_96 = tpu.memref_slice %arg3[%add3A_62] : memref<320000xi32, #tpu.memory_space<hbm>> -> memref<80xi32, #tpu.memory_space<hbm>>
          %dma_wait3A_97 = tpu.memref_slice %arg3[%add3A_62] : memref<320000xi32, #tpu.memory_space<hbm>> -> memref<80xi32, #tpu.memory_space<hbm>>
          tpu.wait_dma2 semaphore(%run_scoped3A_93 : memref<!tpu.dma_semaphore, #tpu.memory_space<semaphore_mem>>) src(%dma_wait3A_97 : memref<80xi32, #tpu.memory_space<hbm>>) dst(%arg7 : memref<80xi32, #tpu.memory_space<vmem>>)
          tpu.yield
        }) : () -> ()
        %run_scoped3A = arith.constant 0 : i32
        "tpu.region"() ({
          %run_scoped3A_93 = tpu.sem_alloc : memref<!tpu.dma_semaphore, #tpu.memory_space<semaphore_mem>>
          %dma_start3A_94 = arith.constant 0 : i32
          %dma_start3A_95 = tpu.memref_slice %arg8[%run_scoped3A, %dma_start3A_94] : memref<2x80xi32, #tpu.memory_space<vmem>> -> memref<1x80xi32, #tpu.memory_space<vmem>>
          %dma_start3A_96 = tpu.memref_squeeze %dma_start3A_95 : memref<1x80xi32, #tpu.memory_space<vmem>> -> memref<80xi32, #tpu.memory_space<vmem>>
          %dma_start3A_97 = tpu.memref_slice %arg4[%add3A_62] : memref<320000xi32, #tpu.memory_space<hbm>> -> memref<80xi32, #tpu.memory_space<hbm>>
          %dma_start3A_98 = arith.constant 0 : i32
          %dma_start3A_99 = tpu.memref_slice %arg8[%run_scoped3A, %dma_start3A_98] : memref<2x80xi32, #tpu.memory_space<vmem>> -> memref<1x80xi32, #tpu.memory_space<vmem>>
          %dma_start3A_100 = tpu.memref_squeeze %dma_start3A_99 : memref<1x80xi32, #tpu.memory_space<vmem>> -> memref<80xi32, #tpu.memory_space<vmem>>
          %dma_start3A_101 = tpu.memref_slice %arg4[%add3A_62] : memref<320000xi32, #tpu.memory_space<hbm>> -> memref<80xi32, #tpu.memory_space<hbm>>
          tpu.enqueue_dma source(%dma_start3A_101 : memref<80xi32, #tpu.memory_space<hbm>>) target(%dma_start3A_100 : memref<80xi32, #tpu.memory_space<vmem>>) target_semaphore(%run_scoped3A_93 : memref<!tpu.dma_semaphore, #tpu.memory_space<semaphore_mem>>)
          %dma_wait3A_102 = arith.constant 0 : i32
          %dma_wait3A_103 = tpu.memref_slice %arg8[%run_scoped3A, %dma_wait3A_102] : memref<2x80xi32, #tpu.memory_space<vmem>> -> memref<1x80xi32, #tpu.memory_space<vmem>>
          %dma_wait3A_104 = tpu.memref_squeeze %dma_wait3A_103 : memref<1x80xi32, #tpu.memory_space<vmem>> -> memref<80xi32, #tpu.memory_space<vmem>>
          %dma_wait3A_105 = tpu.memref_slice %arg4[%add3A_62] : memref<320000xi32, #tpu.memory_space<hbm>> -> memref<80xi32, #tpu.memory_space<hbm>>
          %dma_wait3A_106 = arith.constant 0 : i32
          %dma_wait3A_107 = tpu.memref_slice %arg8[%run_scoped3A, %dma_wait3A_106] : memref<2x80xi32, #tpu.memory_space<vmem>> -> memref<1x80xi32, #tpu.memory_space<vmem>>
          %dma_wait3A_108 = tpu.memref_squeeze %dma_wait3A_107 : memref<1x80xi32, #tpu.memory_space<vmem>> -> memref<80xi32, #tpu.memory_space<vmem>>
          %dma_wait3A_109 = tpu.memref_slice %arg4[%add3A_62] : memref<320000xi32, #tpu.memory_space<hbm>> -> memref<80xi32, #tpu.memory_space<hbm>>
          tpu.wait_dma2 semaphore(%run_scoped3A_93 : memref<!tpu.dma_semaphore, #tpu.memory_space<semaphore_mem>>) src(%dma_wait3A_109 : memref<80xi32, #tpu.memory_space<hbm>>) dst(%dma_wait3A_108 : memref<80xi32, #tpu.memory_space<vmem>>)
          tpu.yield
        }) : () -> ()
        %dma_start3A = arith.constant 0 : i32
        %dma_start3A_63 = arith.constant 0 : i32
        %dma_start3A_64 = arith.constant 0 : i32
        %dma_start3A_65 = tpu.memref_slice %arg9[%dma_start3A, %dma_start3A_63, %dma_start3A_64] : memref<2x80x144xf32, #tpu.memory_space<vmem>> -> memref<1x80x144xf32, #tpu.memory_space<vmem>>
        %dma_start3A_66 = tpu.memref_squeeze %dma_start3A_65 : memref<1x80x144xf32, #tpu.memory_space<vmem>> -> memref<80x144xf32, #tpu.memory_space<vmem>>
        %dma_start3A_67 = arith.constant 0 : i32
        %dma_start3A_68 = arith.constant 0 : i32
        %dma_start3A_69 = tpu.memref_slice %arg2[%dma_start3A_67, %dma_start3A_68] : memref<10240x144xf32, #tpu.memory_space<hbm>> -> memref<10240x144xf32, #tpu.memory_space<hbm>>
        tpu.enqueue_indirect_dma source(%dma_start3A_69 : memref<10240x144xf32, #tpu.memory_space<hbm>>) target(%dma_start3A_66 : memref<80x144xf32, #tpu.memory_space<vmem>>) offsets(%arg7 : memref<80xi32, #tpu.memory_space<vmem>>) semaphore(%arg11 : memref<!tpu.dma_semaphore, #tpu.memory_space<semaphore_mem>>)
        %dma_wait3A_70 = arith.constant 0 : i32
        %dma_wait3A_71 = arith.constant 0 : i32
        %dma_wait3A_72 = arith.constant 0 : i32
        %dma_wait3A_73 = tpu.memref_slice %arg9[%dma_wait3A_70, %dma_wait3A_71, %dma_wait3A_72] : memref<2x80x144xf32, #tpu.memory_space<vmem>> -> memref<1x80x144xf32, #tpu.memory_space<vmem>>
        %dma_wait3A_74 = tpu.memref_squeeze %dma_wait3A_73 : memref<1x80x144xf32, #tpu.memory_space<vmem>> -> memref<80x144xf32, #tpu.memory_space<vmem>>
        %dma_wait3A_75 = arith.constant 0 : i32
        %dma_wait3A_76 = arith.constant 0 : i32
        %dma_wait3A_77 = tpu.memref_slice %arg2[%dma_wait3A_75, %dma_wait3A_76] : memref<10240x144xf32, #tpu.memory_space<hbm>> -> memref<10240x144xf32, #tpu.memory_space<hbm>>
        tpu.wait_indirect_dma semaphore(%arg11 : memref<!tpu.dma_semaphore, #tpu.memory_space<semaphore_mem>>) src(%dma_wait3A_77 : memref<10240x144xf32, #tpu.memory_space<hbm>>) dst(%dma_wait3A_74 : memref<80x144xf32, #tpu.memory_space<vmem>>)
        %dma_start3A_78 = arith.constant 0 : i32
        %dma_start3A_79 = arith.constant 0 : i32
        %dma_start3A_80 = arith.constant 0 : i32
        %dma_start3A_81 = arith.constant 0 : i32
        %dma_start3A_82 = arith.constant 0 : i32
        %dma_start3A_83 = tpu.memref_slice %arg9[%dma_start3A_78, %dma_start3A_81, %dma_start3A_82] : memref<2x80x144xf32, #tpu.memory_space<vmem>> -> memref<1x80x144xf32, #tpu.memory_space<vmem>>
        %dma_start3A_84 = tpu.memref_squeeze %dma_start3A_83 : memref<1x80x144xf32, #tpu.memory_space<vmem>> -> memref<80x144xf32, #tpu.memory_space<vmem>>
        %dma_start3A_85 = arith.constant 0 : i32
        %dma_start3A_86 = tpu.memref_slice %arg8[%dma_start3A_79, %dma_start3A_85] : memref<2x80xi32, #tpu.memory_space<vmem>> -> memref<1x80xi32, #tpu.memory_space<vmem>>
        %dma_start3A_87 = tpu.memref_squeeze %dma_start3A_86 : memref<1x80xi32, #tpu.memory_space<vmem>> -> memref<80xi32, #tpu.memory_space<vmem>>
        %dma_start3A_88 = arith.constant 0 : i32
        %dma_start3A_89 = arith.constant 0 : i32
        %dma_start3A_90 = tpu.memref_slice %arg10[%dma_start3A_88, %dma_start3A_89] : memref<10240x144xf32, #tpu.memory_space<vmem_shared>> -> memref<10240x144xf32, #tpu.memory_space<vmem_shared>>
        %dma_start3A_91 = tpu.memref_slice %arg12[%dma_start3A_80] : memref<2x!tpu.dma_semaphore, #tpu.memory_space<semaphore_mem>> -> memref<1x!tpu.dma_semaphore, #tpu.memory_space<semaphore_mem>>
        %dma_start3A_92 = tpu.memref_squeeze %dma_start3A_91 : memref<1x!tpu.dma_semaphore, #tpu.memory_space<semaphore_mem>> -> memref<!tpu.dma_semaphore, #tpu.memory_space<semaphore_mem>>
        tpu.enqueue_indirect_dma source(%dma_start3A_84 : memref<80x144xf32, #tpu.memory_space<vmem>>) target(%dma_start3A_90 : memref<10240x144xf32, #tpu.memory_space<vmem_shared>>) offsets(%dma_start3A_87 : memref<80xi32, #tpu.memory_space<vmem>>) semaphore(%dma_start3A_92 : memref<!tpu.dma_semaphore, #tpu.memory_space<semaphore_mem>>) {add = true}
      } else {
      }
      %mul3A_47 = arith.constant 2 : i32
      %mul3A_48 = arith.muli %scan3A_40, %mul3A_47 : i32
      %add3A_49 = arith.constant 1 : i32
      %add3A_50 = arith.addi %mul3A_48, %add3A_49 : i32
      %lt3A_51 = arith.constant 125 : i32
      %lt3A_52 = arith.cmpi slt, %add3A_50, %lt3A_51 : i32
      %convert_element_type3A_53 = arith.extui %lt3A_52 : i1 to i32
      %cond3A_54 = arith.constant 0 : i32
      %cond3A_55 = arith.cmpi ne, %convert_element_type3A_53, %cond3A_54 : i32
      scf.if %cond3A_55 {
        %ge3A = arith.constant 2 : i32
        %ge3A_56 = arith.cmpi sge, %add3A_50, %ge3A : i32
        %convert_element_type3A_57 = arith.extui %ge3A_56 : i1 to i32
        %cond3A_58 = arith.constant 0 : i32
        %cond3A_59 = arith.cmpi ne, %convert_element_type3A_57, %cond3A_58 : i32
        scf.if %cond3A_59 {
          %dma_wait3A_93 = arith.constant 1 : i32
          %dma_wait3A_94 = arith.constant 0 : i32
          %dma_wait3A_95 = arith.constant 1 : i32
          %dma_wait3A_96 = arith.constant 0 : i32
          %dma_wait3A_97 = arith.constant 0 : i32
          %dma_wait3A_98 = tpu.memref_slice %arg9[%dma_wait3A_93, %dma_wait3A_96, %dma_wait3A_97] : memref<2x80x144xf32, #tpu.memory_space<vmem>> -> memref<1x80x144xf32, #tpu.memory_space<vmem>>
          %dma_wait3A_99 = tpu.memref_squeeze %dma_wait3A_98 : memref<1x80x144xf32, #tpu.memory_space<vmem>> -> memref<80x144xf32, #tpu.memory_space<vmem>>
          %dma_wait3A_100 = arith.constant 0 : i32
          %dma_wait3A_101 = tpu.memref_slice %arg8[%dma_wait3A_94, %dma_wait3A_100] : memref<2x80xi32, #tpu.memory_space<vmem>> -> memref<1x80xi32, #tpu.memory_space<vmem>>
          %dma_wait3A_102 = tpu.memref_squeeze %dma_wait3A_101 : memref<1x80xi32, #tpu.memory_space<vmem>> -> memref<80xi32, #tpu.memory_space<vmem>>
          %dma_wait3A_103 = arith.constant 0 : i32
          %dma_wait3A_104 = arith.constant 0 : i32
          %dma_wait3A_105 = tpu.memref_slice %arg10[%dma_wait3A_103, %dma_wait3A_104] : memref<10240x144xf32, #tpu.memory_space<vmem_shared>> -> memref<10240x144xf32, #tpu.memory_space<vmem_shared>>
          %dma_wait3A_106 = tpu.memref_slice %arg12[%dma_wait3A_95] : memref<2x!tpu.dma_semaphore, #tpu.memory_space<semaphore_mem>> -> memref<1x!tpu.dma_semaphore, #tpu.memory_space<semaphore_mem>>
          %dma_wait3A_107 = tpu.memref_squeeze %dma_wait3A_106 : memref<1x!tpu.dma_semaphore, #tpu.memory_space<semaphore_mem>> -> memref<!tpu.dma_semaphore, #tpu.memory_space<semaphore_mem>>
          tpu.wait_indirect_dma semaphore(%dma_wait3A_107 : memref<!tpu.dma_semaphore, #tpu.memory_space<semaphore_mem>>) src(%dma_wait3A_99 : memref<80x144xf32, #tpu.memory_space<vmem>>) dst(%dma_wait3A_105 : memref<10240x144xf32, #tpu.memory_space<vmem_shared>>)
        } else {
        }
        %mul3A_60 = arith.constant 80 : i32
        %mul3A_61 = arith.muli %add3A_50, %mul3A_60 : i32
        %add3A_62 = arith.addi %mul3A_2, %mul3A_61 : i32
        "tpu.region"() ({
          %run_scoped3A_93 = tpu.sem_alloc : memref<!tpu.dma_semaphore, #tpu.memory_space<semaphore_mem>>
          %dma_start3A_94 = tpu.memref_slice %arg3[%add3A_62] : memref<320000xi32, #tpu.memory_space<hbm>> -> memref<80xi32, #tpu.memory_space<hbm>>
          %dma_start3A_95 = tpu.memref_slice %arg3[%add3A_62] : memref<320000xi32, #tpu.memory_space<hbm>> -> memref<80xi32, #tpu.memory_space<hbm>>
          tpu.enqueue_dma source(%dma_start3A_95 : memref<80xi32, #tpu.memory_space<hbm>>) target(%arg7 : memref<80xi32, #tpu.memory_space<vmem>>) target_semaphore(%run_scoped3A_93 : memref<!tpu.dma_semaphore, #tpu.memory_space<semaphore_mem>>)
          %dma_wait3A_96 = tpu.memref_slice %arg3[%add3A_62] : memref<320000xi32, #tpu.memory_space<hbm>> -> memref<80xi32, #tpu.memory_space<hbm>>
          %dma_wait3A_97 = tpu.memref_slice %arg3[%add3A_62] : memref<320000xi32, #tpu.memory_space<hbm>> -> memref<80xi32, #tpu.memory_space<hbm>>
          tpu.wait_dma2 semaphore(%run_scoped3A_93 : memref<!tpu.dma_semaphore, #tpu.memory_space<semaphore_mem>>) src(%dma_wait3A_97 : memref<80xi32, #tpu.memory_space<hbm>>) dst(%arg7 : memref<80xi32, #tpu.memory_space<vmem>>)
          tpu.yield
        }) : () -> ()
        %run_scoped3A = arith.constant 1 : i32
        "tpu.region"() ({
          %run_scoped3A_93 = tpu.sem_alloc : memref<!tpu.dma_semaphore, #tpu.memory_space<semaphore_mem>>
          %dma_start3A_94 = arith.constant 0 : i32
          %dma_start3A_95 = tpu.memref_slice %arg8[%run_scoped3A, %dma_start3A_94] : memref<2x80xi32, #tpu.memory_space<vmem>> -> memref<1x80xi32, #tpu.memory_space<vmem>>
          %dma_start3A_96 = tpu.memref_squeeze %dma_start3A_95 : memref<1x80xi32, #tpu.memory_space<vmem>> -> memref<80xi32, #tpu.memory_space<vmem>>
          %dma_start3A_97 = tpu.memref_slice %arg4[%add3A_62] : memref<320000xi32, #tpu.memory_space<hbm>> -> memref<80xi32, #tpu.memory_space<hbm>>
          %dma_start3A_98 = arith.constant 0 : i32
          %dma_start3A_99 = tpu.memref_slice %arg8[%run_scoped3A, %dma_start3A_98] : memref<2x80xi32, #tpu.memory_space<vmem>> -> memref<1x80xi32, #tpu.memory_space<vmem>>
          %dma_start3A_100 = tpu.memref_squeeze %dma_start3A_99 : memref<1x80xi32, #tpu.memory_space<vmem>> -> memref<80xi32, #tpu.memory_space<vmem>>
          %dma_start3A_101 = tpu.memref_slice %arg4[%add3A_62] : memref<320000xi32, #tpu.memory_space<hbm>> -> memref<80xi32, #tpu.memory_space<hbm>>
          tpu.enqueue_dma source(%dma_start3A_101 : memref<80xi32, #tpu.memory_space<hbm>>) target(%dma_start3A_100 : memref<80xi32, #tpu.memory_space<vmem>>) target_semaphore(%run_scoped3A_93 : memref<!tpu.dma_semaphore, #tpu.memory_space<semaphore_mem>>)
          %dma_wait3A_102 = arith.constant 0 : i32
          %dma_wait3A_103 = tpu.memref_slice %arg8[%run_scoped3A, %dma_wait3A_102] : memref<2x80xi32, #tpu.memory_space<vmem>> -> memref<1x80xi32, #tpu.memory_space<vmem>>
          %dma_wait3A_104 = tpu.memref_squeeze %dma_wait3A_103 : memref<1x80xi32, #tpu.memory_space<vmem>> -> memref<80xi32, #tpu.memory_space<vmem>>
          %dma_wait3A_105 = tpu.memref_slice %arg4[%add3A_62] : memref<320000xi32, #tpu.memory_space<hbm>> -> memref<80xi32, #tpu.memory_space<hbm>>
          %dma_wait3A_106 = arith.constant 0 : i32
          %dma_wait3A_107 = tpu.memref_slice %arg8[%run_scoped3A, %dma_wait3A_106] : memref<2x80xi32, #tpu.memory_space<vmem>> -> memref<1x80xi32, #tpu.memory_space<vmem>>
          %dma_wait3A_108 = tpu.memref_squeeze %dma_wait3A_107 : memref<1x80xi32, #tpu.memory_space<vmem>> -> memref<80xi32, #tpu.memory_space<vmem>>
          %dma_wait3A_109 = tpu.memref_slice %arg4[%add3A_62] : memref<320000xi32, #tpu.memory_space<hbm>> -> memref<80xi32, #tpu.memory_space<hbm>>
          tpu.wait_dma2 semaphore(%run_scoped3A_93 : memref<!tpu.dma_semaphore, #tpu.memory_space<semaphore_mem>>) src(%dma_wait3A_109 : memref<80xi32, #tpu.memory_space<hbm>>) dst(%dma_wait3A_108 : memref<80xi32, #tpu.memory_space<vmem>>)
          tpu.yield
        }) : () -> ()
        %dma_start3A = arith.constant 1 : i32
        %dma_start3A_63 = arith.constant 0 : i32
        %dma_start3A_64 = arith.constant 0 : i32
        %dma_start3A_65 = tpu.memref_slice %arg9[%dma_start3A, %dma_start3A_63, %dma_start3A_64] : memref<2x80x144xf32, #tpu.memory_space<vmem>> -> memref<1x80x144xf32, #tpu.memory_space<vmem>>
        %dma_start3A_66 = tpu.memref_squeeze %dma_start3A_65 : memref<1x80x144xf32, #tpu.memory_space<vmem>> -> memref<80x144xf32, #tpu.memory_space<vmem>>
        %dma_start3A_67 = arith.constant 0 : i32
        %dma_start3A_68 = arith.constant 0 : i32
        %dma_start3A_69 = tpu.memref_slice %arg2[%dma_start3A_67, %dma_start3A_68] : memref<10240x144xf32, #tpu.memory_space<hbm>> -> memref<10240x144xf32, #tpu.memory_space<hbm>>
        tpu.enqueue_indirect_dma source(%dma_start3A_69 : memref<10240x144xf32, #tpu.memory_space<hbm>>) target(%dma_start3A_66 : memref<80x144xf32, #tpu.memory_space<vmem>>) offsets(%arg7 : memref<80xi32, #tpu.memory_space<vmem>>) semaphore(%arg11 : memref<!tpu.dma_semaphore, #tpu.memory_space<semaphore_mem>>)
        %dma_wait3A_70 = arith.constant 1 : i32
        %dma_wait3A_71 = arith.constant 0 : i32
        %dma_wait3A_72 = arith.constant 0 : i32
        %dma_wait3A_73 = tpu.memref_slice %arg9[%dma_wait3A_70, %dma_wait3A_71, %dma_wait3A_72] : memref<2x80x144xf32, #tpu.memory_space<vmem>> -> memref<1x80x144xf32, #tpu.memory_space<vmem>>
        %dma_wait3A_74 = tpu.memref_squeeze %dma_wait3A_73 : memref<1x80x144xf32, #tpu.memory_space<vmem>> -> memref<80x144xf32, #tpu.memory_space<vmem>>
        %dma_wait3A_75 = arith.constant 0 : i32
        %dma_wait3A_76 = arith.constant 0 : i32
        %dma_wait3A_77 = tpu.memref_slice %arg2[%dma_wait3A_75, %dma_wait3A_76] : memref<10240x144xf32, #tpu.memory_space<hbm>> -> memref<10240x144xf32, #tpu.memory_space<hbm>>
        tpu.wait_indirect_dma semaphore(%arg11 : memref<!tpu.dma_semaphore, #tpu.memory_space<semaphore_mem>>) src(%dma_wait3A_77 : memref<10240x144xf32, #tpu.memory_space<hbm>>) dst(%dma_wait3A_74 : memref<80x144xf32, #tpu.memory_space<vmem>>)
        %dma_start3A_78 = arith.constant 1 : i32
        %dma_start3A_79 = arith.constant 1 : i32
        %dma_start3A_80 = arith.constant 1 : i32
        %dma_start3A_81 = arith.constant 0 : i32
        %dma_start3A_82 = arith.constant 0 : i32
        %dma_start3A_83 = tpu.memref_slice %arg9[%dma_start3A_78, %dma_start3A_81, %dma_start3A_82] : memref<2x80x144xf32, #tpu.memory_space<vmem>> -> memref<1x80x144xf32, #tpu.memory_space<vmem>>
        %dma_start3A_84 = tpu.memref_squeeze %dma_start3A_83 : memref<1x80x144xf32, #tpu.memory_space<vmem>> -> memref<80x144xf32, #tpu.memory_space<vmem>>
        %dma_start3A_85 = arith.constant 0 : i32
        %dma_start3A_86 = tpu.memref_slice %arg8[%dma_start3A_79, %dma_start3A_85] : memref<2x80xi32, #tpu.memory_space<vmem>> -> memref<1x80xi32, #tpu.memory_space<vmem>>
        %dma_start3A_87 = tpu.memref_squeeze %dma_start3A_86 : memref<1x80xi32, #tpu.memory_space<vmem>> -> memref<80xi32, #tpu.memory_space<vmem>>
        %dma_start3A_88 = arith.constant 0 : i32
        %dma_start3A_89 = arith.constant 0 : i32
        %dma_start3A_90 = tpu.memref_slice %arg10[%dma_start3A_88, %dma_start3A_89] : memref<10240x144xf32, #tpu.memory_space<vmem_shared>> -> memref<10240x144xf32, #tpu.memory_space<vmem_shared>>
        %dma_start3A_91 = tpu.memref_slice %arg12[%dma_start3A_80] : memref<2x!tpu.dma_semaphore, #tpu.memory_space<semaphore_mem>> -> memref<1x!tpu.dma_semaphore, #tpu.memory_space<semaphore_mem>>
        %dma_start3A_92 = tpu.memref_squeeze %dma_start3A_91 : memref<1x!tpu.dma_semaphore, #tpu.memory_space<semaphore_mem>> -> memref<!tpu.dma_semaphore, #tpu.memory_space<semaphore_mem>>
        tpu.enqueue_indirect_dma source(%dma_start3A_84 : memref<80x144xf32, #tpu.memory_space<vmem>>) target(%dma_start3A_90 : memref<10240x144xf32, #tpu.memory_space<vmem_shared>>) offsets(%dma_start3A_87 : memref<80xi32, #tpu.memory_space<vmem>>) semaphore(%dma_start3A_92 : memref<!tpu.dma_semaphore, #tpu.memory_space<semaphore_mem>>) {add = true}
      } else {
      }
    }
    %scan3A_9 = arith.constant 63 : i32
    %dma_wait3A = arith.constant 0 : i32
    %dma_wait3A_10 = arith.constant 0 : i32
    %dma_wait3A_11 = arith.constant 0 : i32
    %dma_wait3A_12 = arith.constant 0 : i32
    %dma_wait3A_13 = arith.constant 0 : i32
    %dma_wait3A_14 = tpu.memref_slice %arg9[%dma_wait3A, %dma_wait3A_12, %dma_wait3A_13] : memref<2x80x144xf32, #tpu.memory_space<vmem>> -> memref<1x80x144xf32, #tpu.memory_space<vmem>>
    %dma_wait3A_15 = tpu.memref_squeeze %dma_wait3A_14 : memref<1x80x144xf32, #tpu.memory_space<vmem>> -> memref<80x144xf32, #tpu.memory_space<vmem>>
    %dma_wait3A_16 = arith.constant 0 : i32
    %dma_wait3A_17 = tpu.memref_slice %arg8[%dma_wait3A_10, %dma_wait3A_16] : memref<2x80xi32, #tpu.memory_space<vmem>> -> memref<1x80xi32, #tpu.memory_space<vmem>>
    %dma_wait3A_18 = tpu.memref_squeeze %dma_wait3A_17 : memref<1x80xi32, #tpu.memory_space<vmem>> -> memref<80xi32, #tpu.memory_space<vmem>>
    %dma_wait3A_19 = arith.constant 0 : i32
    %dma_wait3A_20 = arith.constant 0 : i32
    %dma_wait3A_21 = tpu.memref_slice %arg10[%dma_wait3A_19, %dma_wait3A_20] : memref<10240x144xf32, #tpu.memory_space<vmem_shared>> -> memref<10240x144xf32, #tpu.memory_space<vmem_shared>>
    %dma_wait3A_22 = tpu.memref_slice %arg12[%dma_wait3A_11] : memref<2x!tpu.dma_semaphore, #tpu.memory_space<semaphore_mem>> -> memref<1x!tpu.dma_semaphore, #tpu.memory_space<semaphore_mem>>
    %dma_wait3A_23 = tpu.memref_squeeze %dma_wait3A_22 : memref<1x!tpu.dma_semaphore, #tpu.memory_space<semaphore_mem>> -> memref<!tpu.dma_semaphore, #tpu.memory_space<semaphore_mem>>
    tpu.wait_indirect_dma semaphore(%dma_wait3A_23 : memref<!tpu.dma_semaphore, #tpu.memory_space<semaphore_mem>>) src(%dma_wait3A_15 : memref<80x144xf32, #tpu.memory_space<vmem>>) dst(%dma_wait3A_21 : memref<10240x144xf32, #tpu.memory_space<vmem_shared>>)
    %dma_wait3A_24 = arith.constant 1 : i32
    %dma_wait3A_25 = arith.constant 0 : i32
    %dma_wait3A_26 = arith.constant 1 : i32
    %dma_wait3A_27 = arith.constant 0 : i32
    %dma_wait3A_28 = arith.constant 0 : i32
    %dma_wait3A_29 = tpu.memref_slice %arg9[%dma_wait3A_24, %dma_wait3A_27, %dma_wait3A_28] : memref<2x80x144xf32, #tpu.memory_space<vmem>> -> memref<1x80x144xf32, #tpu.memory_space<vmem>>
    %dma_wait3A_30 = tpu.memref_squeeze %dma_wait3A_29 : memref<1x80x144xf32, #tpu.memory_space<vmem>> -> memref<80x144xf32, #tpu.memory_space<vmem>>
    %dma_wait3A_31 = arith.constant 0 : i32
    %dma_wait3A_32 = tpu.memref_slice %arg8[%dma_wait3A_25, %dma_wait3A_31] : memref<2x80xi32, #tpu.memory_space<vmem>> -> memref<1x80xi32, #tpu.memory_space<vmem>>
    %dma_wait3A_33 = tpu.memref_squeeze %dma_wait3A_32 : memref<1x80xi32, #tpu.memory_space<vmem>> -> memref<80xi32, #tpu.memory_space<vmem>>
    %dma_wait3A_34 = arith.constant 0 : i32
    %dma_wait3A_35 = arith.constant 0 : i32
    %dma_wait3A_36 = tpu.memref_slice %arg10[%dma_wait3A_34, %dma_wait3A_35] : memref<10240x144xf32, #tpu.memory_space<vmem_shared>> -> memref<10240x144xf32, #tpu.memory_space<vmem_shared>>
    %dma_wait3A_37 = tpu.memref_slice %arg12[%dma_wait3A_26] : memref<2x!tpu.dma_semaphore, #tpu.memory_space<semaphore_mem>> -> memref<1x!tpu.dma_semaphore, #tpu.memory_space<semaphore_mem>>
    %dma_wait3A_38 = tpu.memref_squeeze %dma_wait3A_37 : memref<1x!tpu.dma_semaphore, #tpu.memory_space<semaphore_mem>> -> memref<!tpu.dma_semaphore, #tpu.memory_space<semaphore_mem>>
    tpu.wait_indirect_dma semaphore(%dma_wait3A_38 : memref<!tpu.dma_semaphore, #tpu.memory_space<semaphore_mem>>) src(%dma_wait3A_30 : memref<80x144xf32, #tpu.memory_space<vmem>>) dst(%dma_wait3A_36 : memref<10240x144xf32, #tpu.memory_space<vmem_shared>>)
    %barrier3A_39 = arith.constant 0 : index
    tpu.barrier barrier_id(%barrier3A_39)
    "tpu.region"() ({
      %run_scoped3A = tpu.sem_alloc : memref<!tpu.dma_semaphore, #tpu.memory_space<semaphore_mem>>
      %dma_start3A = arith.constant 0 : i32
      %dma_start3A_40 = tpu.memref_slice %arg6[%arg0, %mul3A_4, %dma_start3A] : memref<2x10240x144xf32, #tpu.memory_space<hbm>> -> memref<1x640x144xf32, #tpu.memory_space<hbm>>
      %dma_start3A_41 = tpu.memref_squeeze %dma_start3A_40 : memref<1x640x144xf32, #tpu.memory_space<hbm>> -> memref<640x144xf32, #tpu.memory_space<hbm>>
      %dma_start3A_42 = arith.constant 0 : i32
      %dma_start3A_43 = tpu.memref_slice %arg10[%mul3A_4, %dma_start3A_42] : memref<10240x144xf32, #tpu.memory_space<vmem_shared>> -> memref<640x144xf32, #tpu.memory_space<vmem_shared>>
      tpu.enqueue_dma source(%dma_start3A_43 : memref<640x144xf32, #tpu.memory_space<vmem_shared>>) target(%dma_start3A_41 : memref<640x144xf32, #tpu.memory_space<hbm>>) target_semaphore(%run_scoped3A : memref<!tpu.dma_semaphore, #tpu.memory_space<semaphore_mem>>)
      %dma_wait3A_44 = arith.constant 0 : i32
      %dma_wait3A_45 = tpu.memref_slice %arg6[%arg0, %mul3A_4, %dma_wait3A_44] : memref<2x10240x144xf32, #tpu.memory_space<hbm>> -> memref<1x640x144xf32, #tpu.memory_space<hbm>>
      %dma_wait3A_46 = tpu.memref_squeeze %dma_wait3A_45 : memref<1x640x144xf32, #tpu.memory_space<hbm>> -> memref<640x144xf32, #tpu.memory_space<hbm>>
      %dma_wait3A_47 = arith.constant 0 : i32
      %dma_wait3A_48 = tpu.memref_slice %arg10[%mul3A_4, %dma_wait3A_47] : memref<10240x144xf32, #tpu.memory_space<vmem_shared>> -> memref<640x144xf32, #tpu.memory_space<vmem_shared>>
      tpu.wait_dma2 semaphore(%run_scoped3A : memref<!tpu.dma_semaphore, #tpu.memory_space<semaphore_mem>>) src(%dma_wait3A_48 : memref<640x144xf32, #tpu.memory_space<vmem_shared>>) dst(%dma_wait3A_46 : memref<640x144xf32, #tpu.memory_space<hbm>>)
      tpu.yield
    }) : () -> ()
    return
  }
}

module attributes {stable_mosaic.version = 14 : i64} {
  func.func @_tc_finish_body(%arg0: i32, %arg1: memref<2x1000x144xf32, #tpu.memory_space<vmem>>, %arg2: memref<1000x128xf32, #tpu.memory_space<vmem>>, %arg3: memref<128x128xf32, #tpu.memory_space<vmem>>, %arg4: memref<1x128xf32, #tpu.memory_space<vmem>>, %arg5: memref<128x128xf32, #tpu.memory_space<vmem>>, %arg6: memref<1000x128xf32, #tpu.memory_space<vmem>>) attributes {dimension_semantics = [#tpu.dimension_semantics<arbitrary>], iteration_bounds = array<i64: 10>, scalar_prefetch = 0 : i64, scratch_operands = 0 : i64, tpu.core_type = #tpu.core_type<tc>, window_params = [{transform_indices = @transform_0, window_bounds = array<i64: 2, 1000, 144>}, {transform_indices = @transform_1, window_bounds = array<i64: 1000, 128>}, {pipeline_mode = #tpu.pipeline_mode<synchronous>, transform_indices = @transform_2, window_bounds = array<i64: 128, 128>}, {pipeline_mode = #tpu.pipeline_mode<synchronous>, transform_indices = @transform_3, window_bounds = array<i64: 1, 128>}, {pipeline_mode = #tpu.pipeline_mode<synchronous>, transform_indices = @transform_4, window_bounds = array<i64: 128, 128>}, {transform_indices = @transform_5, window_bounds = array<i64: 1000, 128>}]} {
    %get3A = arith.constant 0 : index
    %get3A_0 = arith.constant 0 : index
    %get3A_1 = arith.constant 0 : index
    %get3A_2 = vector.load %arg1[%get3A, %get3A_0, %get3A_1] : memref<2x1000x144xf32, #tpu.memory_space<vmem>>, vector<2x1000x144xf32>
    %slice3A = vector.extract_strided_slice %get3A_2 {offsets = [0, 0, 0], sizes = [1, 1000, 128], strides = [1, 1, 1]} : vector<2x1000x144xf32> to vector<1x1000x128xf32>
    %squeeze3A = vector.shape_cast %slice3A : vector<1x1000x128xf32> to vector<1000x128xf32>
    %slice3A_3 = vector.extract_strided_slice %get3A_2 {offsets = [1, 0, 0], sizes = [1, 1000, 128], strides = [1, 1, 1]} : vector<2x1000x144xf32> to vector<1x1000x128xf32>
    %squeeze3A_4 = vector.shape_cast %slice3A_3 : vector<1x1000x128xf32> to vector<1000x128xf32>
    %add3A = arith.addf %squeeze3A, %squeeze3A_4 : vector<1000x128xf32>
    %slice3A_5 = vector.extract_strided_slice %get3A_2 {offsets = [0, 0, 128], sizes = [1, 1000, 1], strides = [1, 1, 1]} : vector<2x1000x144xf32> to vector<1x1000x1xf32>
    %squeeze3A_6 = vector.shape_cast %slice3A_5 : vector<1x1000x1xf32> to vector<1000xf32>
    %slice3A_7 = vector.extract_strided_slice %get3A_2 {offsets = [1, 0, 128], sizes = [1, 1000, 1], strides = [1, 1, 1]} : vector<2x1000x144xf32> to vector<1x1000x1xf32>
    %squeeze3A_8 = vector.shape_cast %slice3A_7 : vector<1x1000x1xf32> to vector<1000xf32>
    %add3A_9 = arith.addf %squeeze3A_6, %squeeze3A_8 : vector<1000xf32>
    %max3A = arith.constant 1.000000e+00 : f32
    %max3A_10 = vector.broadcast %max3A : f32 to vector<1000xf32>
    %max3A_11 = arith.maximumf %add3A_9, %max3A_10 : vector<1000xf32>
    %broadcast_in_dim3A = vector.shape_cast %max3A_11 : vector<1000xf32> to vector<1000x1xf32>
    %div3A = vector.broadcast %broadcast_in_dim3A : vector<1000x1xf32> to vector<1000x128xf32>
    %div3A_12 = arith.divf %add3A, %div3A : vector<1000x128xf32>
    %get3A_13 = arith.constant 0 : index
    %get3A_14 = arith.constant 0 : index
    %get3A_15 = vector.load %arg3[%get3A_13, %get3A_14] : memref<128x128xf32, #tpu.memory_space<vmem>>, vector<128x128xf32>
    %dot_general3A = arith.constant dense<0.000000e+00> : vector<1000x128xf32>
    %dot_general3A_16 = tpu.matmul %div3A_12, %get3A_15, %dot_general3A {dimension_numbers = #tpu.dot_dimension_numbers<[1], [0], [0], [1], [0, 0, 1, 1], [], []>, transpose_lhs_hint = false} : vector<1000x128xf32>, vector<128x128xf32>, vector<1000x128xf32> -> vector<1000x128xf32>
    %get3A_17 = arith.constant 0 : index
    %get3A_18 = arith.constant 0 : index
    %get3A_19 = vector.load %arg4[%get3A_17, %get3A_18] : memref<1x128xf32, #tpu.memory_space<vmem>>, vector<1x128xf32>
    %add3A_20 = vector.broadcast %get3A_19 : vector<1x128xf32> to vector<1000x128xf32>
    %add3A_21 = arith.addf %dot_general3A_16, %add3A_20 : vector<1000x128xf32>
    %get3A_22 = arith.constant 0 : index
    %get3A_23 = arith.constant 0 : index
    %get3A_24 = vector.load %arg2[%get3A_22, %get3A_23] : memref<1000x128xf32, #tpu.memory_space<vmem>>, vector<1000x128xf32>
    %get3A_25 = arith.constant 0 : index
    %get3A_26 = arith.constant 0 : index
    %get3A_27 = vector.load %arg5[%get3A_25, %get3A_26] : memref<128x128xf32, #tpu.memory_space<vmem>>, vector<128x128xf32>
    %dot_general3A_28 = arith.constant dense<0.000000e+00> : vector<1000x128xf32>
    %dot_general3A_29 = tpu.matmul %get3A_24, %get3A_27, %dot_general3A_28 {dimension_numbers = #tpu.dot_dimension_numbers<[1], [0], [0], [1], [0, 0, 1, 1], [], []>, transpose_lhs_hint = false} : vector<1000x128xf32>, vector<128x128xf32>, vector<1000x128xf32> -> vector<1000x128xf32>
    %add3A_30 = arith.addf %add3A_21, %dot_general3A_29 : vector<1000x128xf32>
    %swap3A = arith.constant 0 : index
    %swap3A_31 = arith.constant 0 : index
    %swap3A_32 = vector.load %arg6[%swap3A, %swap3A_31] : memref<1000x128xf32, #tpu.memory_space<vmem>>, vector<1000x128xf32>
    tpu.vector_store %arg6[%swap3A, %swap3A_31], %add3A_30 {strides = array<i32>} : memref<1000x128xf32, #tpu.memory_space<vmem>>, vector<1000x128xf32>,
    return
  }
  func.func @transform_0(%arg0: i32) -> (i32, i32, i32) {
    %c0_i32 = arith.constant 0 : i32
    %c0_i32_0 = arith.constant 0 : i32
    %c0_i32_1 = arith.constant 0 : i32
    return %c0_i32, %arg0, %c0_i32_0 : i32, i32, i32
  }
  func.func @transform_1(%arg0: i32) -> (i32, i32) {
    %c0_i32 = arith.constant 0 : i32
    %c0_i32_0 = arith.constant 0 : i32
    return %arg0, %c0_i32 : i32, i32
  }
  func.func @transform_2(%arg0: i32) -> (i32, i32) {
    %c0_i32 = arith.constant 0 : i32
    %c0_i32_0 = arith.constant 0 : i32
    %c0_i32_1 = arith.constant 0 : i32
    return %c0_i32, %c0_i32_0 : i32, i32
  }
  func.func @transform_3(%arg0: i32) -> (i32, i32) {
    %c0_i32 = arith.constant 0 : i32
    %c0_i32_0 = arith.constant 0 : i32
    %c0_i32_1 = arith.constant 0 : i32
    return %c0_i32, %c0_i32_0 : i32, i32
  }
  func.func @transform_4(%arg0: i32) -> (i32, i32) {
    %c0_i32 = arith.constant 0 : i32
    %c0_i32_0 = arith.constant 0 : i32
    %c0_i32_1 = arith.constant 0 : i32
    return %c0_i32, %c0_i32_0 : i32, i32
  }
  func.func @transform_5(%arg0: i32) -> (i32, i32) {
    %c0_i32 = arith.constant 0 : i32
    %c0_i32_0 = arith.constant 0 : i32
    return %arg0, %c0_i32 : i32, i32
  }
}

</mosaic_0001>

<sc_bundles>
// kernel: kernel.4.cloned.1.call-start
scs
__scs_entry_jumppad:
0x0: {  	(pc) =	sbr.rel $0x88, $3  }
0x1: {  	(tag) =	ssettag $0x0;
	lr =	simm.s32 $0x1  }
0x2: {  	[smem:$0x3F9C] =	sst lr;
	_ =	strace $0xD0000000  }
0x3: {  	_ = 	snop  }
0x4: {  	_ = 	snop  }
0x5: {  	_ = 	snop  }
0x6: {  	_ = 	snop  }
0x7: {  	_ = 	snop  }
__scs_overlays_trampoline_lowered:
0x8: {  	[smem:$0x3FAB] =	sst s0  }
0x9: {  	[smem:$0x3FAC] =	sst s1  }
0xa: {  	[smem:$0x3FAD] =	sst s2  }
0xb: {  	[smem:$0x3FAE] =	sst s3  }
0xc: {  	[smem:$0x3FAF] =	sst s4  }
0xd: {  	[smem:$0x3FB0] =	sst s5  }
0xe: {  	[smem:$0x3FB1] =	sst s6  }
0xf: {  	[smem:$0x3FB2] =	sst s7  }
0x10: {  	[smem:$0x3FB3] =	sst s8  }
0x11: {  	[smem:$0x3FB4] =	sst s9;
	s0 =	simm.s32 @!p0 $0x0  }
0x12: {  	s1 =	sld [smem:$0x3F9A];
	s0 =	simm.s32 @p0 $0x1  }
0x13: {  	[smem:$0x3FB5] =	sst s0;
	s0 =	simm.s32 @!p1 $0x0  }
0x14: {  	s2 =	sld [smem:$0x3F99];
	s0 =	simm.s32 @p1 $0x1  }
0x15: {  	[smem:$0x3FB6] =	sst s0;
	s0 =	simm.s32 @!p2 $0x0  }
0x16: {  	s3 =	sld [smem:$0x3FDB];
	s0 =	simm.s32 @p2 $0x1  }
0x17: {  	s4 =	simm.s32 $0x1BF5;
	[smem:$0x3FB8] =	sst s0  }
0x18: {  	s0 =	sld [smem:$0x3F9B];
	_ =	swait.ge [sflag:s4], $0x0  }
0x19: {  	s7 =	sld [smem:$0x3F9C]  }
0x1a: {  	s8 =	sadd.s32 $0xFFFFE003, lr  }
0x1b: {  	s9 =	sadd.s32 $0xFFFFFEF7, lr;
	s5 =	simm.s32 $0xFFFFFFFF;
	p2 =	slt.u32 s8, $0xFFFFF086  }
0x1c: {  	p1 =	slt.u32 s9, $0xF7A;
	s5 =	simm.s32 @!p2 $0x0  }
0x1d: {  	s5 =	simm.s32 @p1 $0x1;
	p0 =	seq.s32 s7, s2  }
0x1e: {  	s7 =	smul.u32 @!p0 $0xF7A, s2;
	p2 =	seq.s32 @!p0 s5, $0x0  }
0x1f: {  	s9 =	smul.u32 $0xF7A, s1;
	s8 =	simm.s32 @!p0 $0x1BF5;
	p2 =	por !p2, p0  }
0x20: {  	[sflag:s8] =	ssyncset.s32 @!p0 $0xFFFFF086;
	s6 =	sadd.s32 @!p0 s3, s7;
	s7 =	simm.s32 @!p0 $0x108  }
0x21: {  	s3 =	sadd.s32 s3, s9;
	s6 =	sadd.s32 @!p0 $0x88, s6;
	s7 =	simm.s32 @p2 $0x1082  }
0x22: {  	[simem:s7], [sflag:s8] =	dma.local @!p0 [hbm:s6], $0xF7A  }
0x23: {  	s9 =	sor.u32 $0xD0000000, s2;
	s6 =	simm.s32 $0x108;
	_ =	swait.ge @!p0 [sflag:s8], $0x0  }
0x24: {  	s3 =	sadd.s32 $0x88, s3;
	s6 =	simm.s32 @!p1 $0x1082;
	[sflag:s4] =	ssyncset.s32 $0xFFFFF086  }
0x25: {  	[simem:s6], [sflag:s4] =	dma.local [hbm:s3], $0xF7A  }
0x26: {  	[smem:$0x3F9C] =	sst s1;
	(tag) =	ssettag s2;
	_ =	strace s9  }
0x27: {  	s1 =	sld [smem:$0x3FAC]  }
0x28: {  	s2 =	sld [smem:$0x3FAD]  }
0x29: {  	s4 =	sld [smem:$0x3FAF]  }
0x2a: {  	p0 =	seq.s32 s5, $0x0;
	s5 =	sld [smem:$0x3FB0]  }
0x2b: {  	s6 =	sld [smem:$0x3FB1]  }
0x2c: {  	s7 =	sld [smem:$0x3FB2]  }
0x2d: {  	s3 =	simm.s32 $0x108;
	s8 =	sld [smem:$0x3FB3]  }
0x2e: {  	s3 =	simm.s32 @!p0 $0x1082;
	s9 =	sld [smem:$0x3FB4]  }
0x2f: {  	lr =	sadd.s32 s0, s3;
	s0 =	sld [smem:$0x3FAB]  }
0x30: {  	s3 =	sld [smem:$0x3FAE]  }
0x31: {  	[smem:$0x3FB7] =	sst s10  }
0x32: {  	s10 =	sld [smem:$0x3FB5];
	_ =	sdelay $0x3  }
0x33: {  	p0 =	seq.s32 s10, $0x1;
	s10 =	sld [smem:$0x3FB7];
	_ =	sdelay $0x3  }
0x34: {  	[smem:$0x3FB7] =	sst s10  }
0x35: {  	s10 =	sld [smem:$0x3FB6];
	_ =	sdelay $0x3  }
0x36: {  	p1 =	seq.s32 s10, $0x1;
	s10 =	sld [smem:$0x3FB7];
	_ =	sdelay $0x3  }
0x37: {  	[smem:$0x3FB7] =	sst s10  }
0x38: {  	s10 =	sld [smem:$0x3FB8]  }
0x39: {  	_ = 	snop;
	(pc) =	sbr.ind lr, $3  }
0x3a: {  	_ = 	snop  }
0x3b: {  	_ = 	snop  }
0x3c: {  	p2 =	seq.s32 s10, $0x1;
	s10 =	sld [smem:$0x3FB7]  }
0x3d: {  	_ =	shalt  }
0x3e: {  	_ =	shalt  }
0x3f: {  	_ =	shalt  }
0x40: {  	_ =	shalt  }
0x41: {  	_ =	shalt  }
0x42: {  	_ =	shalt  }
0x43: {  	_ =	shalt  }
0x44: {  	_ =	shalt  }
0x45: {  	_ =	shalt  }
0x46: {  	_ =	shalt  }
0x47: {  	_ =	shalt  }
0x48: {  	_ =	shalt  }
0x49: {  	_ =	shalt  }
0x4a: {  	_ =	shalt  }
0x4b: {  	_ =	shalt  }
0x4c: {  	_ =	shalt  }
0x4d: {  	_ =	shalt  }
0x4e: {  	_ =	shalt  }
0x4f: {  	_ =	shalt  }
0x50: {  	_ =	shalt  }
0x51: {  	_ =	shalt  }
0x52: {  	_ =	shalt  }
0x53: {  	_ =	shalt  }
0x54: {  	_ =	shalt  }
0x55: {  	_ =	shalt  }
0x56: {  	_ =	shalt  }
0x57: {  	_ =	shalt  }
0x58: {  	_ =	shalt  }
0x59: {  	_ =	shalt  }
0x5a: {  	_ =	shalt  }
0x5b: {  	_ =	shalt  }
0x5c: {  	_ =	shalt  }
0x5d: {  	_ =	shalt  }
0x5e: {  	_ =	shalt  }
0x5f: {  	_ =	shalt  }
0x60: {  	_ =	shalt  }
0x61: {  	_ =	shalt  }
0x62: {  	_ =	shalt  }
0x63: {  	_ =	shalt  }
0x64: {  	_ =	shalt  }
0x65: {  	_ =	shalt  }
0x66: {  	_ =	shalt  }
0x67: {  	_ =	shalt  }
0x68: {  	_ =	shalt  }
0x69: {  	_ =	shalt  }
0x6a: {  	_ =	shalt  }
0x6b: {  	_ =	shalt  }
0x6c: {  	_ =	shalt  }
0x6d: {  	_ =	shalt  }
0x6e: {  	_ =	shalt  }
0x6f: {  	_ =	shalt  }
0x70: {  	_ =	shalt  }
0x71: {  	_ =	shalt  }
0x72: {  	_ =	shalt  }
0x73: {  	_ =	shalt  }
0x74: {  	_ =	shalt  }
0x75: {  	_ =	shalt  }
0x76: {  	_ =	shalt  }
0x77: {  	_ =	shalt  }
0x78: {  	_ =	shalt  }
0x79: {  	_ =	shalt  }
0x7a: {  	_ =	shalt  }
0x7b: {  	_ =	shalt  }
0x7c: {  	_ =	shalt  }
0x7d: {  	_ =	shalt  }
0x7e: {  	_ =	shalt  }
0x7f: {  	_ =	shalt  }
0x80: {  	_ =	shalt  }
0x81: {  	_ =	shalt  }
0x82: {  	_ =	shalt  }
0x83: {  	_ =	shalt  }
0x84: {  	_ =	shalt  }
0x85: {  	_ =	shalt  }
0x86: {  	_ =	shalt  }
0x87: {  	_ =	shalt  }
.Lfunc_end0:
.L_simem_size_0:
called_computation_lowered:
.L_overlay_start_0:
0x88: {  	s2 =	sld [smem:$0x3FD9]  }
0x89: {  	s3 =	sld [smem:$0x3FFE];
	_ =	sdelay $0x1  }
0x8a: {  	s1 =	srdreg.scid  }
0x8b: {  	s0 =	sand.u32 $0x1, s1  }
0x8c: {  	s17 =	sshll.u32 s0, $0xA;
	s2 =	sadd.s32 s3, s2  }
0x8d: {  	s2 =	sadd.s32 s2, s17  }
0x8e: {  	[smem:$0x3FC3] =	sst s2  }
0x8f: {  	_ = 	snop  }
0x90: {  	s2 =	sld [smem:$0x3FD0];
	(tm) =	ssettm $0x1  }
0x91: {  	s18 =	sld [smem:$0x3FFB];
	_ =	sdelay $0x3  }
0x92: {  	_ =	strace s18  }
0x93: {  	s3 =	sld [smem:$0x3FFC];
	_ =	sdelay $0x3  }
0x94: {  	_ =	strace s3  }
0x95: {  	s3 =	sld [smem:$0x3FFD];
	_ =	sdelay $0x3  }
0x96: {  	_ =	strace s3  }
0x97: {  	_ =	strace $0x8FFFFFFF  }
0x98: {  	s19 =	sld [smem:$0x3FDB];
	_ =	sdelay $0x1  }
0x99: {  	s4 =	simm.s32 $_scs_section_size  }
0x9a: {  	s5 =	simm.s32 $_size__tile_overlayer_lowered;
	s6 =	simm.s32 $_tile_overlayer_lowered  }
0x9b: {  	s22 =	simm.s32 $0x1BFF;
	s21 =	sshll.u32 s6, $0x1;
	s3 =	sadd.s32 s4, s19  }
0x9c: {  	s7 =	simm.s32 $0x0;
	s20 =	sshll.u32 s5, $0x1;
	s5 =	sadd.s32 s21, s3  }
0x9d: {  	[timem:s7], [sflag:s22] =	dma.local [hbm:s5], s20  }
0x9e: {  	_ =	swait.ge [sflag:s22], s20  }
0x9f: {  	s4 =	ssub.s32 $0x0, s20;
	[sflag:s22] =	ssyncset.done $0x0  }
0xa0: {  	[sflag:s22] =	ssyncadd.s32 s4;
	_ =	sdelay $0x1  }
0xa1: {  	s23 =	simm.s32 $0x1B8B  }
0xa2: {  	_ =	swait.ge [sflag:s23], $0x1  }
0xa3: {  	[sflag:s23] =	ssyncset.done $0x0  }
0xa4: {  	s25 =	simm.s32 $0x1B8E;
	s24 =	sld [smem:$0x3FFE];
	[sflag:s23] =	ssyncadd.s32 $0xFFFFFFFF  }
0xa5: {  	s26 =	simm.s32 $execute0_lowered;
	[smem:$0x3FD2] =	sst s25  }
0xa6: {  	s5 =	sshll.u32 s26, $0x1;
	_ =	strace $0x80000046;
	[dreg:$0x1] =	wrdreg $0xFFFFFFFF  }
0xa7: {  	s28 =	simm.s32 $_size_execute0_lowered;
	s3 =	sadd.s32 s3, s5;
	[dreg:$0x0] =	wrdreg $0x0  }
0xa8: {  	s5 =	sshll.u32 s28, $0x1;
	[dreg:$0x2] =	wrdreg s3  }
0xa9: {  	[dreg:$0x3] =	wrdreg s5  }
0xaa: {  	[dreg:$0x4] =	wrdreg $0xC0  }
0xab: {  	_ =	task [dreg:s7], $0x5FFFF  }
0xac: {  	[dreg:$0x1] =	wrdreg $0xFFFFFFFF  }
0xad: {  	[dreg:$0x0] =	wrdreg $0x60  }
0xae: {  	[dreg:$0x2] =	wrdreg s24  }
0xaf: {  	[dreg:$0x3] =	wrdreg s2  }
0xb0: {  	[dreg:$0x4] =	wrdreg $0x5AF00  }
0xb1: {  	[dreg:$0x5] =	wrdreg $0x9  }
0xb2: {  	_ =	task.clear_ibuf [dreg:s7], $0x6FFFF;
	_ =	strace $0x90000046  }
0xb3: {  	s29 =	simm.s32 $0x9;
	_ =	strace $0x80000048  }
0xb4: {  	_ =	swait.ge [sflag:s29], $0x1  }
0xb5: {  	[sflag:s29] =	ssyncadd.s32 $0xFFFFFFFF  }
0xb6: {  	_ =	strace $0x90000048  }
0xb7: {  	_ =	sfence  }
0xb8: {  	s30 =	sld [smem:$0x0];
	_ =	sdelay $0x2  }
0xb9: {  	s31 =	sshll.u32 s1, $0xD;
	s1 =	sshrl.u32 s1, $0x2  }
0xba: {  	s3 =	sand.u32 $0x4000, s31;
	s1 =	sadd.s32 s1, s30  }
0xbb: {  	s0 =	sor.u32 s3, s0;
	s1 =	sshll.u32 s1, $0x11  }
0xbc: {  	s0 =	sor.u32 s1, s0  }
0xbd: {  	s0 =	sadd.s32 $0x8F2B, s0  }
0xbe: {  	[sflag:s0] =	ssyncadd.remote.s32 $0x1  }
0xbf: {  	_ =	sfence.sel $0xFFFF  }
0xc0: {  	[dreg:$0x0] =	wrdreg $0xFFFFFFFF;
	(pc) =	sbr.abs _section_cstart, $3  }
0xc1: {  	[dreg:$0x1] =	wrdreg $0xFFFFFFFF  }
0xc2: {  	_ =	task.clear_ibuf [dreg:s7], $0x2FFFF;
	_ =	strace $0x9FFFFFFF  }
0xc3: {  	(tm) =	ssettm $0x7FFFFFFF  }
tec
execute0_lowered:
.L_overlay_start_1:
0x0: {  	(tag) =	ssettag $0x1  }
0x1: {  	s0 =	rddreg [dreg:$0x0]  }
0x2: {  	s2 =	rddreg [dreg:$0x1]  }
0x3: {  	s3 =	rddreg [dreg:$0x2];
	s1 =	stileid.u32;
	s4 =	simm.s32 $0x0  }
0x4: {  	s5 =	srdreg.scid;
	s28 =	simm.s32 $0x2;
	s29 =	simm.s32 $0x3  }
0x5: {  	s30 =	simm.s32 $0x0;
	s7 =	smul.u32 $0x16800, s1;
	[smem:$0x7FF] =	sst s4  }
0x6: {  	s9 =	sand.u32 $0x1, s5;
	s5 =	sadd.s32 $0xA200, s0;
	s6 =	sadd.s32 $0x400, s0  }
0x7: {  	s12 =	sshll.u32 s1, $0x1;
	s23 =	sshll.u32 s1, $0x6;
	s24 =	smul.u32 $0x4E20, s1  }
0x8: {  	_ =	strace $0x80000047;
	s10 =	smul.u32 $0x168000, s9;
	s11 =	ssub.s32 $0x2, s9  }
0x9: {  	s12 =	sor.u32 s9, s12;
	s26 =	smul.u32 $0x2710, s9;
	s8 =	sshrl.u32 s7, $0x3  }
0xa: {  	s13 =	sshrl.u32 s11, $0x1;
	s22 =	smul.u32 $0x2710, s12;
	s20 =	sadd.s32 s7, s3  }
0xb: {  	s8 =	sadd.s32 s8, s0;
	s10 =	sadd.s32 s7, s10;
	s21 =	ssub.s32 s11, s13  }
0xc: {  	s19 =	sadd.s32 s26, s24;
	s20 =	sshrl.u32 s20, $0x3;
	s24 =	simm.s32 $0x1  }
0xd: {  	s26 =	simm.s32 $0x2DF0;
	s10 =	sshrl.u32 s10, $0x3;
	s25 =	sadd.s32 $0x37200, s8  }
0xe: {  	s8 =	sor.u32 $0x1C04, s23;
	s31 =	sshrl.u32 s22, $0x3;
	s15 =	sadd.s32 $0xF0, s19  }
0xf: {  	s19 =	sadd.s32 $0xA0, s19;
	s22 =	simm.s32 $0x50;
	s23 =	simm.s32 $0xF0  }
0x10: {  	s0 =	sadd.s32 s10, s0;
	[dreg:$0x4] =	wrdreg s25;
	s10 =	smax.u32 s21, $0x1  }
0x11: {  	s11 =	sadd.s32 s6, s31;
	s14 =	sadd.s32 $0xA, s31;
	s12 =	sadd.s32 s2, s31  }
0x12: {  	s18 =	sshrl.u32 s15, $0x3;
	s21 =	simm.s32 $0x4;
	s25 =	simm.s32 $0xA0  }
0x13: {  	s0 =	sadd.s32 $0x64200, s0;
	s13 =	sadd.s32 s6, s14;
	s14 =	sadd.s32 s2, s14  }
0x14: {  	s17 =	sadd.s32 s18, s2;
	[dreg:$0x5] =	wrdreg s0;
	s0 =	sadd.s32 $0x4D8, s31  }
0x15: {  	s18 =	sadd.s32 s18, s6;
	s15 =	sadd.s32 s6, s0;
	s16 =	sadd.s32 s2, s0  }
.LBB2_1:
0x16: {  	s0 =	rddreg [dreg:$0x4]  }
0x17: {  	[spmem:s20], [sflag:s8] =	dma.local [hbm:s0], $0x2D00  }
0x18: {  	_ =	swait.ge [sflag:s21], $0x2D00  }
0x19: {  	[sflag:s21] =	ssyncset.done $0x0  }
0x1a: {  	[sflag:s21] =	ssyncadd.s32 $0xFFFFD300  }
0x1b: {  	[bflag:$0x0] =	sbarrier.arrive $0xFFFF  }
0x1c: {  	[tilespmem:s4], [sflag:$0x4] =	stream.linear.gather [hbm4b:s11+s4], $0x50, $0x38;
	[tilespmem:$0x1C2F0] =	vst v63  }
0x1d: {  	_ =	swait.ge [sflag:s21], $0x50  }
0x1e: {  	[sflag:s21] =	ssyncset.done $0x0  }
0x1f: {  	[sflag:s21] =	ssyncadd.s32 $0xFFFFFFB0  }
0x20: {  	[tilespmem:s22], [sflag:$0x4] =	stream.linear.gather [hbm4b:s12+s4], $0x50, $0x38;
	[tilespmem:$0x1C2F0] =	vst v63  }
0x21: {  	_ =	swait.ge [sflag:s21], $0x50  }
0x22: {  	[sflag:s21] =	ssyncset.done $0x0  }
0x23: {  	[sflag:s21] =	ssyncadd.s32 $0xFFFFFFB0  }
0x24: {  	[tilespmem:s23], [sflag:$0x1] =	stream.indirect.gather [hbm4b:s5+s22], $0x90, s4, s22, $0xb8;
	[tilespmem:$0x1C2F0] =	vst v63  }
0x25: {  	_ =	swait.ge [sflag:s24], $0x2D00  }
0x26: {  	[sflag:s24] =	ssyncset.done $0x0  }
0x27: {  	[sflag:s24] =	ssyncadd.s32 $0xFFFFD300  }
0x28: {  	[spmem:s3] =	stream.indirect.scatter.add.f32 [tilespmem:s23], [sflag:$0x2], $0x90, s22, s22, $0xb8;
	[tilespmem:$0x1C2F0] =	vst v63  }
0x29: {  	_ = 	snop  }
0x2a: {  	[tilespmem:s4], [sflag:$0x4] =	stream.linear.gather [hbm4b:s13+s4], $0x50, $0x38;
	[tilespmem:$0x1C2F0] =	vst v63  }
0x2b: {  	_ =	swait.ge [sflag:s21], $0x50  }
0x2c: {  	[sflag:s21] =	ssyncset.done $0x0  }
0x2d: {  	[sflag:s21] =	ssyncadd.s32 $0xFFFFFFB0  }
0x2e: {  	[tilespmem:s25], [sflag:$0x4] =	stream.linear.gather [hbm4b:s14+s4], $0x50, $0x38;
	[tilespmem:$0x1C2F0] =	vst v63  }
0x2f: {  	_ =	swait.ge [sflag:s21], $0x50  }
0x30: {  	[sflag:s21] =	ssyncset.done $0x0  }
0x31: {  	[sflag:s21] =	ssyncadd.s32 $0xFFFFFFB0  }
0x32: {  	[tilespmem:s26], [sflag:$0x1] =	stream.indirect.gather [hbm4b:s5+s22], $0x90, s4, s22, $0xb8;
	[tilespmem:$0x1C2F0] =	vst v63  }
0x33: {  	_ =	swait.ge [sflag:s24], $0x2D00  }
0x34: {  	[sflag:s24] =	ssyncset.done $0x0  }
0x35: {  	[sflag:s24] =	ssyncadd.s32 $0xFFFFD300  }
0x36: {  	[spmem:s3] =	stream.indirect.scatter.add.f32 [tilespmem:s26], [sflag:$0x3], $0x90, s25, s22, $0xb8;
	[tilespmem:$0x1C2F0] =	vst v63  }
0x37: {  	_ =	swait.ge [sflag:s28], $0x2D00  }
0x38: {  	s1 =	sshrl.u32 s19, $0x3;
	[sflag:s28] =	ssyncset.done $0x0  }
0x39: {  	s31 =	sadd.s32 s6, s1;
	[sflag:s28] =	ssyncadd.s32 $0xFFFFD300  }
0x3a: {  	[tilespmem:s4], [sflag:$0x4] =	stream.linear.gather [hbm4b:s31+s4], $0x50, $0x38;
	[tilespmem:$0x1C2F0] =	vst v63  }
0x3b: {  	_ =	swait.ge [sflag:s21], $0x50  }
0x3c: {  	[sflag:s21] =	ssyncset.done $0x0  }
0x3d: {  	s0 =	sadd.s32 s2, s1;
	[sflag:s21] =	ssyncadd.s32 $0xFFFFFFB0  }
0x3e: {  	[tilespmem:s22], [sflag:$0x4] =	stream.linear.gather [hbm4b:s0+s4], $0x50, $0x38;
	[tilespmem:$0x1C2F0] =	vst v63  }
0x3f: {  	_ =	swait.ge [sflag:s21], $0x50  }
0x40: {  	[sflag:s21] =	ssyncset.done $0x0  }
0x41: {  	[sflag:s21] =	ssyncadd.s32 $0xFFFFFFB0  }
0x42: {  	[tilespmem:s23], [sflag:$0x1] =	stream.indirect.gather [hbm4b:s5+s22], $0x90, s4, s22, $0xb8;
	[tilespmem:$0x1C2F0] =	vst v63  }
0x43: {  	_ =	swait.ge [sflag:s24], $0x2D00  }
0x44: {  	[sflag:s24] =	ssyncset.done $0x0  }
0x45: {  	[sflag:s24] =	ssyncadd.s32 $0xFFFFD300  }
0x46: {  	[spmem:s3] =	stream.indirect.scatter.add.f32 [tilespmem:s23], [sflag:$0x2], $0x90, s22, s22, $0xb8;
	[tilespmem:$0x1C2F0] =	vst v63  }
0x47: {  	_ =	swait.ge [sflag:s29], $0x2D00  }
0x48: {  	[sflag:s29] =	ssyncset.done $0x0  }
0x49: {  	s7 =	sadd.s32 $0x0, s18;
	[sflag:s29] =	ssyncadd.s32 $0xFFFFD300  }
0x4a: {  	[tilespmem:s4], [sflag:$0x4] =	stream.linear.gather [hbm4b:s7+s4], $0x50, $0x38;
	[tilespmem:$0x1C2F0] =	vst v63  }
0x4b: {  	_ =	swait.ge [sflag:s21], $0x50  }
0x4c: {  	[sflag:s21] =	ssyncset.done $0x0  }
0x4d: {  	s9 =	sadd.s32 $0x0, s17;
	[sflag:s21] =	ssyncadd.s32 $0xFFFFFFB0  }
0x4e: {  	[tilespmem:s25], [sflag:$0x4] =	stream.linear.gather [hbm4b:s9+s4], $0x50, $0x38;
	[tilespmem:$0x1C2F0] =	vst v63  }
0x4f: {  	_ =	swait.ge [sflag:s21], $0x50  }
0x50: {  	[sflag:s21] =	ssyncset.done $0x0  }
0x51: {  	[sflag:s21] =	ssyncadd.s32 $0xFFFFFFB0  }
0x52: {  	[tilespmem:s26], [sflag:$0x1] =	stream.indirect.gather [hbm4b:s5+s22], $0x90, s4, s22, $0xb8;
	[tilespmem:$0x1C2F0] =	vst v63  }
0x53: {  	_ =	swait.ge [sflag:s24], $0x2D00  }
0x54: {  	[sflag:s24] =	ssyncset.done $0x0  }
0x55: {  	s31 =	simm.s32 $0x14;
	s0 =	sadd.s32 $0xA0, s19;
	[sflag:s24] =	ssyncadd.s32 $0xFFFFD300  }
.LBB2_2:
0x56: {  	[spmem:s3] =	stream.indirect.scatter.add.f32 [tilespmem:s26], [sflag:$0x3], $0x90, s25, s22, $0xb8;
	[tilespmem:$0x1C2F0] =	vst v63  }
0x57: {  	s1 =	smov.u32 s31  }
0x58: {  	p0 =	sne.s32 s31, $0x4B0;
	s31 =	sadd.s32 $0x14, s31;
	_ =	swait.ge [sflag:s28], $0x2D00  }
0x59: {  	s7 =	sshrl.u32 s0, $0x3;
	[sflag:s28] =	ssyncset.done $0x0  }
0x5a: {  	s9 =	sadd.s32 s6, s7;
	[sflag:s28] =	ssyncadd.s32 $0xFFFFD300  }
0x5b: {  	[tilespmem:s4], [sflag:$0x4] =	stream.linear.gather [hbm4b:s9+s4], $0x50, $0x38;
	[tilespmem:$0x1C2F0] =	vst v63  }
0x5c: {  	_ =	swait.ge [sflag:s21], $0x50  }
0x5d: {  	[sflag:s21] =	ssyncset.done $0x0  }
0x5e: {  	s7 =	sadd.s32 s2, s7;
	[sflag:s21] =	ssyncadd.s32 $0xFFFFFFB0  }
0x5f: {  	[tilespmem:s22], [sflag:$0x4] =	stream.linear.gather [hbm4b:s7+s4], $0x50, $0x38;
	[tilespmem:$0x1C2F0] =	vst v63  }
0x60: {  	_ =	swait.ge [sflag:s21], $0x50  }
0x61: {  	[sflag:s21] =	ssyncset.done $0x0  }
0x62: {  	[sflag:s21] =	ssyncadd.s32 $0xFFFFFFB0  }
0x63: {  	[tilespmem:s23], [sflag:$0x1] =	stream.indirect.gather [hbm4b:s5+s22], $0x90, s4, s22, $0xb8;
	[tilespmem:$0x1C2F0] =	vst v63  }
0x64: {  	_ =	swait.ge [sflag:s24], $0x2D00  }
0x65: {  	[sflag:s24] =	ssyncset.done $0x0  }
0x66: {  	[sflag:s24] =	ssyncadd.s32 $0xFFFFD300  }
0x67: {  	[spmem:s3] =	stream.indirect.scatter.add.f32 [tilespmem:s23], [sflag:$0x2], $0x90, s22, s22, $0xb8;
	[tilespmem:$0x1C2F0] =	vst v63  }
0x68: {  	_ =	swait.ge [sflag:s29], $0x2D00  }
0x69: {  	[sflag:s29] =	ssyncset.done $0x0  }
0x6a: {  	s7 =	sadd.s32 s1, s18;
	[sflag:s29] =	ssyncadd.s32 $0xFFFFD300  }
0x6b: {  	[tilespmem:s4], [sflag:$0x4] =	stream.linear.gather [hbm4b:s7+s4], $0x50, $0x38;
	[tilespmem:$0x1C2F0] =	vst v63  }
0x6c: {  	_ =	swait.ge [sflag:s21], $0x50  }
0x6d: {  	[sflag:s21] =	ssyncset.done $0x0  }
0x6e: {  	s1 =	sadd.s32 s1, s17;
	[sflag:s21] =	ssyncadd.s32 $0xFFFFFFB0  }
0x6f: {  	[tilespmem:s25], [sflag:$0x4] =	stream.linear.gather [hbm4b:s1+s4], $0x50, $0x38;
	[tilespmem:$0x1C2F0] =	vst v63  }
0x70: {  	_ =	swait.ge [sflag:s21], $0x50  }
0x71: {  	[sflag:s21] =	ssyncset.done $0x0  }
.Ltmp0:
0x72: {  	[sflag:s21] =	ssyncadd.s32 $0xFFFFFFB0;
	(pc) =	sbr.rel @p0 .LBB2_2-.Ltmp0, $4  }
0x73: {  	[tilespmem:s26], [sflag:$0x1] =	stream.indirect.gather [hbm4b:s5+s22], $0x90, s4, s22, $0xb8;
	[tilespmem:$0x1C2F0] =	vst v63  }
0x74: {  	_ =	swait.ge [sflag:s24], $0x2D00  }
0x75: {  	[sflag:s24] =	ssyncset.done $0x0  }
0x76: {  	s0 =	sadd.s32 $0xA0, s0;
	[sflag:s24] =	ssyncadd.s32 $0xFFFFD300  }
0x77: {  	[spmem:s3] =	stream.indirect.scatter.add.f32 [tilespmem:s26], [sflag:$0x3], $0x90, s25, s22, $0xb8;
	[tilespmem:$0x1C2F0] =	vst v63  }
0x78: {  	_ =	swait.ge [sflag:s28], $0x2D00  }
0x79: {  	[sflag:s28] =	ssyncset.done $0x0  }
0x7a: {  	[sflag:s28] =	ssyncadd.s32 $0xFFFFD300  }
0x7b: {  	[tilespmem:s4], [sflag:$0x4] =	stream.linear.gather [hbm4b:s15+s4], $0x50, $0x38;
	[tilespmem:$0x1C2F0] =	vst v63  }
0x7c: {  	_ =	swait.ge [sflag:s21], $0x50  }
0x7d: {  	[sflag:s21] =	ssyncset.done $0x0  }
0x7e: {  	[sflag:s21] =	ssyncadd.s32 $0xFFFFFFB0  }
0x7f: {  	[tilespmem:s22], [sflag:$0x4] =	stream.linear.gather [hbm4b:s16+s4], $0x50, $0x38;
	[tilespmem:$0x1C2F0] =	vst v63  }
0x80: {  	_ =	swait.ge [sflag:s21], $0x50  }
0x81: {  	[sflag:s21] =	ssyncset.done $0x0  }
0x82: {  	[sflag:s21] =	ssyncadd.s32 $0xFFFFFFB0  }
0x83: {  	[tilespmem:s23], [sflag:$0x1] =	stream.indirect.gather [hbm4b:s5+s22], $0x90, s4, s22, $0xb8;
	[tilespmem:$0x1C2F0] =	vst v63  }
0x84: {  	_ =	swait.ge [sflag:s24], $0x2D00  }
0x85: {  	[sflag:s24] =	ssyncset.done $0x0  }
0x86: {  	[sflag:s24] =	ssyncadd.s32 $0xFFFFD300  }
0x87: {  	[spmem:s3] =	stream.indirect.scatter.add.f32 [tilespmem:s23], [sflag:$0x2], $0x90, s22, s22, $0xb8;
	[tilespmem:$0x1C2F0] =	vst v63  }
0x88: {  	_ =	swait.ge [sflag:s28], $0x2D00  }
0x89: {  	[sflag:s28] =	ssyncset.done $0x0  }
0x8a: {  	[sflag:s28] =	ssyncadd.s32 $0xFFFFD300  }
0x8b: {  	_ =	swait.ge [sflag:s29], $0x2D00  }
0x8c: {  	[sflag:s29] =	ssyncset.done $0x0  }
0x8d: {  	s30 =	sadd.s32 $0x1, s30;
	[sflag:s29] =	ssyncadd.s32 $0xFFFFD300  }
0x8e: {  	p0 =	sne.s32 s30, s10;
	[bflag:$0x0] =	sbarrier.arrive $0xFFFF  }
.Ltmp1:
0x8f: {  	s0 =	rddreg [dreg:$0x5];
	(pc) =	sbr.rel @p0 .LBB2_1-.Ltmp1, $4  }
0x90: {  	[hbm:s0], [sflag:s8] =	dma.local [spmem:s20], $0x2D00  }
0x91: {  	_ =	swait.ge [sflag:s21], $0x2D00  }
0x92: {  	[sflag:s21] =	ssyncset.done $0x0  }
0x93: {  	[sflag:s21] =	ssyncadd.s32 $0xFFFFD300  }
0x94: {  	_ =	sfence.sel $0x180000  }
0x95: {  	[bflag:$0x0] =	sbarrier.arrive $0xFFFF  }
0x96: {  	_ =	strace $0x90000047  }
0x97: {  	s0 =	stileid.u32;
	[bflag:$0x2] =	sbarrier.arrive $0xFFFF  }
0x98: {  	p0 =	sne.s32 s0, $0x0;
	s0 =	rddreg [dreg:$0x3]  }
0x99: {  	s0 =	sadd.s32 @!p0 $0x100000, s0  }
0x9a: {  	[sflag:s0] =	ssyncadd.tile.s32 @!p0 $0x1;
	_ =	shalt  }
.Lfunc_end2:
_tile_overlayer_lowered:
.L_overlay_start_2:
0x9b: {  	(tag) =	ssettag $0x2  }
0x9c: {  	s0 =	rddreg [dreg:$0x0];
	s2 =	stileid.u32  }
0x9d: {  	s1 =	rddreg [dreg:$0x1];
	p0 =	sne.s32 s2, $0x0  }
0x9e: {  	s3 =	rddreg [dreg:$0x2];
	[bflag:$0x3] =	sbarrier.arrive $0xFFFF;
	s2 =	simm.s32 @!p0 $0x1C04  }
0x9f: {  	[timem:s3], [sflag:s2] =	dma.local @!p0 [hbm:s0], s1  }
0xa0: {  	s0 =	simm.s32 @!p0 $0x4  }
0xa1: {  	_ =	swait.ge @!p0 [sflag:s0], s1  }
0xa2: {  	s1 =	ssub.s32 @!p0 $0x0, s1;
	[sflag:s0] =	ssyncset.done @!p0 $0x0  }
0xa3: {  	[sflag:s0] =	ssyncadd.s32 @!p0 s1  }
0xa4: {  	[bflag:$0x3] =	sbarrier.arrive $0xFFFF  }
0xa5: {  	_ =	shalt  }

</sc_bundles>
